<compile_context>
chip_gen: v7x
topology: tpu7x:2x2x1
jax: 0.10.2.dev20260603
libtpu: 0.0.44.dev20260713+nightly
codegen_flags: <defaults>
</compile_context>

<pallas_src>
import jax
import jax.numpy as jnp
from jax import lax
from jax.experimental import pallas as pl
from jax.experimental.pallas import tpu as pltpu
from jax.experimental.pallas import tpu_sc as plsc

_F32 = jnp.float32
_I32 = jnp.int32


def _sc_body(w_hbm, out_hbm, w_s, o_s, sem):
    pltpu.async_copy(w_hbm, w_s, sem).wait()

    def leaf(i):
        v = w_s[i]
        return v * (1.0 - v)

    def level1(j):
        return leaf(2 * j) + leaf(2 * j + 1)

    def body(k, acc):
        return acc + level1(2 * k) * level1(2 * k + 1)

    total = lax.fori_loop(0, 32, body, jnp.float32(0.0), unroll=False)
    o_s[0] = total

    pltpu.sync_copy(o_s, out_hbm)


_sc_call = pl.kernel(
    _sc_body,
    out_type=jax.ShapeDtypeStruct((1,), _F32),
    mesh=plsc.ScalarSubcoreMesh(axis_name="c", num_cores=1),
    compiler_params=pltpu.CompilerParams(needs_layout_passes=False,
                                         disable_bounds_checks=True,
                                         disable_semaphore_checks=True),
    scratch_types=[
        pltpu.SMEM((128,), _F32),
        pltpu.SMEM((1,), _F32),
        pltpu.SemaphoreType.DMA,
    ],
)


def kernel(weights, ptrs0, seg0, ptrs1, seg1, ptrs2, seg2, ptrs3, seg3):
    return _sc_call(weights)

# --- scband reference (transcript-rebuilt; emitter-appended) ---
"""Pipeline reference for scband-knowledge-module-57535381897728 (READ-ONLY COPY).

The authoritative reference and input builder live on the scoring server;
editing this copy changes nothing except your own understanding.
"""

import jax, jax.numpy as jnp
import numpy as np


def setup_inputs(seed: int = 0) -> dict:
    key = jax.random.key(seed)
    weights = jax.random.uniform(key, (128,), dtype=jnp.float32)
    return {
        "weights": weights,
        "ptrs0": jnp.arange(2, 258, dtype=jnp.int32),
        "seg0": jnp.repeat(jnp.arange(128, dtype=jnp.int32), 2),
        "ptrs1": jnp.arange(128, dtype=jnp.int32),
        "seg1": jnp.repeat(jnp.arange(64, dtype=jnp.int32), 2),
        "ptrs2": jnp.arange(64, dtype=jnp.int32),
        "seg2": jnp.repeat(jnp.arange(32, dtype=jnp.int32), 2),
        "ptrs3": jnp.arange(32, dtype=jnp.int32),
        "seg3": jnp.zeros((32,), dtype=jnp.int32),
    }


def reference(weights, ptrs0, seg0, ptrs1, seg1, ptrs2, seg2, ptrs3, seg3):
    # encode_input: interleave pos/neg literals, prepend semiring constants (zero=0, one=1)
    neg = 1.0 - weights
    interleaved = jnp.stack([weights, neg], axis=1).reshape(-1)
    x = jnp.concatenate([jnp.array([0.0, 1.0], dtype=weights.dtype), interleaved])
    # Layer 0: ProdLayer -> gather by ptrs, scatter-reduce prod by segment id
    x = jax.ops.segment_prod(x[ptrs0], seg0, num_segments=128)
    # Layer 1: SumLayer -> gather + scatter-add
    x = jax.ops.segment_sum(x[ptrs1], seg1, num_segments=64)
    # Layer 2: ProdLayer
    x = jax.ops.segment_prod(x[ptrs2], seg2, num_segments=32)
    # Layer 3: SumLayer (root)
    x = jax.ops.segment_sum(x[ptrs3], seg3, num_segments=1)
    return x

if __name__ == "__main__":
    import jax
    _d = setup_inputs()
    print(jax.jit(kernel)(*tuple(_d.values())))

</pallas_src>

<mosaic_0001>
#map = affine_map<(d0) -> (0)>
module attributes {stable_mosaic.version = 14 : i64} {
  func.func @_sc_body(%arg0: i32, %arg1: memref<128xf32, #tpu.memory_space<hbm>>, %arg2: memref<1xf32, #tpu.memory_space<hbm>>, %arg3: memref<128xf32, #tpu.memory_space<smem>>, %arg4: memref<1xf32, #tpu.memory_space<smem>>, %arg5: memref<!tpu.dma_semaphore, #tpu.memory_space<semaphore_mem>>) attributes {dimension_semantics = [#tpu.dimension_semantics<core_parallel>], iteration_bounds = array<i64: 1>, scalar_prefetch = 0 : i64, scratch_operands = 3 : i64, tpu.core_type = #tpu.core_type<sc_scalar_subcore>, window_params = [{transform_indices = #map}, {transform_indices = #map}]} {
    tpu.enqueue_dma source(%arg1 : memref<128xf32, #tpu.memory_space<hbm>>) target(%arg3 : memref<128xf32, #tpu.memory_space<smem>>) target_semaphore(%arg5 : memref<!tpu.dma_semaphore, #tpu.memory_space<semaphore_mem>>)
    tpu.wait_dma2 semaphore(%arg5 : memref<!tpu.dma_semaphore, #tpu.memory_space<semaphore_mem>>) src(%arg1 : memref<128xf32, #tpu.memory_space<hbm>>) dst(%arg3 : memref<128xf32, #tpu.memory_space<smem>>)
    %scan3A = arith.constant 0.000000e+00 : f32
    %scan3A_0 = arith.constant 0 : i32
    %scan3A_1 = arith.constant 32 : i32
    %scan3A_2 = arith.addi %scan3A_0, %scan3A_1 : i32
    %scan3A_3 = arith.constant 1 : i32
    %scan3A_4 = scf.for %scan3A_8 = %scan3A_0 to %scan3A_2 step %scan3A_3 iter_args(%scan3A_9 = %scan3A) -> (f32)  : i32 {
      %mul3A = arith.constant 2 : i32
      %mul3A_10 = arith.muli %mul3A, %scan3A_8 : i32
      %mul3A_11 = arith.constant 2 : i32
      %mul3A_12 = arith.muli %mul3A_11, %mul3A_10 : i32
      %get3A = arith.index_cast %mul3A_12 : i32 to index
      %get3A_13 = memref.load %arg3[%get3A] : memref<128xf32, #tpu.memory_space<smem>>
      %sub3A = arith.constant 1.000000e+00 : f32
      %sub3A_14 = arith.subf %sub3A, %get3A_13 : f32
      %mul3A_15 = arith.mulf %get3A_13, %sub3A_14 : f32
      %mul3A_16 = arith.constant 2 : i32
      %mul3A_17 = arith.muli %mul3A_16, %mul3A_10 : i32
      %add3A = arith.constant 1 : i32
      %add3A_18 = arith.addi %mul3A_17, %add3A : i32
      %get3A_19 = arith.index_cast %add3A_18 : i32 to index
      %get3A_20 = memref.load %arg3[%get3A_19] : memref<128xf32, #tpu.memory_space<smem>>
      %sub3A_21 = arith.constant 1.000000e+00 : f32
      %sub3A_22 = arith.subf %sub3A_21, %get3A_20 : f32
      %mul3A_23 = arith.mulf %get3A_20, %sub3A_22 : f32
      %add3A_24 = arith.addf %mul3A_15, %mul3A_23 : f32
      %mul3A_25 = arith.constant 2 : i32
      %mul3A_26 = arith.muli %mul3A_25, %scan3A_8 : i32
      %add3A_27 = arith.constant 1 : i32
      %add3A_28 = arith.addi %mul3A_26, %add3A_27 : i32
      %mul3A_29 = arith.constant 2 : i32
      %mul3A_30 = arith.muli %mul3A_29, %add3A_28 : i32
      %get3A_31 = arith.index_cast %mul3A_30 : i32 to index
      %get3A_32 = memref.load %arg3[%get3A_31] : memref<128xf32, #tpu.memory_space<smem>>
      %sub3A_33 = arith.constant 1.000000e+00 : f32
      %sub3A_34 = arith.subf %sub3A_33, %get3A_32 : f32
      %mul3A_35 = arith.mulf %get3A_32, %sub3A_34 : f32
      %mul3A_36 = arith.constant 2 : i32
      %mul3A_37 = arith.muli %mul3A_36, %add3A_28 : i32
      %add3A_38 = arith.constant 1 : i32
      %add3A_39 = arith.addi %mul3A_37, %add3A_38 : i32
      %get3A_40 = arith.index_cast %add3A_39 : i32 to index
      %get3A_41 = memref.load %arg3[%get3A_40] : memref<128xf32, #tpu.memory_space<smem>>
      %sub3A_42 = arith.constant 1.000000e+00 : f32
      %sub3A_43 = arith.subf %sub3A_42, %get3A_41 : f32
      %mul3A_44 = arith.mulf %get3A_41, %sub3A_43 : f32
      %add3A_45 = arith.addf %mul3A_35, %mul3A_44 : f32
      %mul3A_46 = arith.mulf %add3A_24, %add3A_45 : f32
      %add3A_47 = arith.addf %scan3A_9, %mul3A_46 : f32
      scf.yield %add3A_47 : f32
    }
    %scan3A_5 = arith.constant 32 : i32
    %swap3A = arith.constant 0 : i32
    %swap3A_6 = arith.index_cast %swap3A : i32 to index
    %swap3A_7 = memref.load %arg4[%swap3A_6] : memref<1xf32, #tpu.memory_space<smem>>
    memref.store %scan3A_4, %arg4[%swap3A_6] : memref<1xf32, #tpu.memory_space<smem>>
    "tpu.region"() ({
      %run_scoped3A = tpu.sem_alloc : memref<!tpu.dma_semaphore, #tpu.memory_space<semaphore_mem>>
      tpu.enqueue_dma source(%arg4 : memref<1xf32, #tpu.memory_space<smem>>) target(%arg2 : memref<1xf32, #tpu.memory_space<hbm>>) target_semaphore(%run_scoped3A : memref<!tpu.dma_semaphore, #tpu.memory_space<semaphore_mem>>)
      tpu.wait_dma2 semaphore(%run_scoped3A : memref<!tpu.dma_semaphore, #tpu.memory_space<semaphore_mem>>) src(%arg4 : memref<1xf32, #tpu.memory_space<smem>>) dst(%arg2 : memref<1xf32, #tpu.memory_space<hbm>>)
      tpu.yield
    }) : () -> ()
    return
  }
}

</mosaic_0001>

<sc_bundles>
// kernel: kernel.3.cloned.1.call-start
scs
__scs_entry_jumppad:
0x0: {  	(pc) =	sbr.rel $0x88, $3  }
0x1: {  	(tag) =	ssettag $0x0;
	lr =	simm.s32 $0x1  }
0x2: {  	[smem:$0x3FA0] =	sst lr;
	_ =	strace $0xD0000000  }
0x3: {  	_ = 	snop  }
0x4: {  	_ = 	snop  }
0x5: {  	_ = 	snop  }
0x6: {  	_ = 	snop  }
0x7: {  	_ = 	snop  }
__scs_overlays_trampoline_lowered:
0x8: {  	[smem:$0x3FAF] =	sst s0  }
0x9: {  	[smem:$0x3FB0] =	sst s1  }
0xa: {  	[smem:$0x3FB1] =	sst s2  }
0xb: {  	[smem:$0x3FB2] =	sst s3  }
0xc: {  	[smem:$0x3FB3] =	sst s4  }
0xd: {  	[smem:$0x3FB4] =	sst s5  }
0xe: {  	[smem:$0x3FB5] =	sst s6  }
0xf: {  	[smem:$0x3FB6] =	sst s7  }
0x10: {  	[smem:$0x3FB7] =	sst s8  }
0x11: {  	[smem:$0x3FB8] =	sst s9;
	s0 =	simm.s32 @!p0 $0x0  }
0x12: {  	s1 =	sld [smem:$0x3F9E];
	s0 =	simm.s32 @p0 $0x1  }
0x13: {  	[smem:$0x3FB9] =	sst s0;
	s0 =	simm.s32 @!p1 $0x0  }
0x14: {  	s2 =	sld [smem:$0x3F9D];
	s0 =	simm.s32 @p1 $0x1  }
0x15: {  	[smem:$0x3FBA] =	sst s0;
	s0 =	simm.s32 @!p2 $0x0  }
0x16: {  	s3 =	sld [smem:$0x3FDB];
	s0 =	simm.s32 @p2 $0x1  }
0x17: {  	s4 =	simm.s32 $0x1BF5;
	[smem:$0x3FBC] =	sst s0  }
0x18: {  	s0 =	sld [smem:$0x3F9F];
	_ =	swait.ge [sflag:s4], $0x0  }
0x19: {  	s7 =	sld [smem:$0x3FA0]  }
0x1a: {  	s8 =	sadd.s32 $0xFFFFE003, lr  }
0x1b: {  	s9 =	sadd.s32 $0xFFFFFEF7, lr;
	s5 =	simm.s32 $0xFFFFFFFF;
	p2 =	slt.u32 s8, $0xFFFFF086  }
0x1c: {  	p1 =	slt.u32 s9, $0xF7A;
	s5 =	simm.s32 @!p2 $0x0  }
0x1d: {  	s5 =	simm.s32 @p1 $0x1;
	p0 =	seq.s32 s7, s2  }
0x1e: {  	s7 =	smul.u32 @!p0 $0xF7A, s2;
	p2 =	seq.s32 @!p0 s5, $0x0  }
0x1f: {  	s9 =	smul.u32 $0xF7A, s1;
	s8 =	simm.s32 @!p0 $0x1BF5;
	p2 =	por !p2, p0  }
0x20: {  	[sflag:s8] =	ssyncset.s32 @!p0 $0xFFFFF086;
	s6 =	sadd.s32 @!p0 s3, s7;
	s7 =	simm.s32 @!p0 $0x108  }
0x21: {  	s3 =	sadd.s32 s3, s9;
	s6 =	sadd.s32 @!p0 $0x88, s6;
	s7 =	simm.s32 @p2 $0x1082  }
0x22: {  	[simem:s7], [sflag:s8] =	dma.local @!p0 [hbm:s6], $0xF7A  }
0x23: {  	s9 =	sor.u32 $0xD0000000, s2;
	s6 =	simm.s32 $0x108;
	_ =	swait.ge @!p0 [sflag:s8], $0x0  }
0x24: {  	s3 =	sadd.s32 $0x88, s3;
	s6 =	simm.s32 @!p1 $0x1082;
	[sflag:s4] =	ssyncset.s32 $0xFFFFF086  }
0x25: {  	[simem:s6], [sflag:s4] =	dma.local [hbm:s3], $0xF7A  }
0x26: {  	[smem:$0x3FA0] =	sst s1;
	(tag) =	ssettag s2;
	_ =	strace s9  }
0x27: {  	s1 =	sld [smem:$0x3FB0]  }
0x28: {  	s2 =	sld [smem:$0x3FB1]  }
0x29: {  	s4 =	sld [smem:$0x3FB3]  }
0x2a: {  	p0 =	seq.s32 s5, $0x0;
	s5 =	sld [smem:$0x3FB4]  }
0x2b: {  	s6 =	sld [smem:$0x3FB5]  }
0x2c: {  	s7 =	sld [smem:$0x3FB6]  }
0x2d: {  	s3 =	simm.s32 $0x108;
	s8 =	sld [smem:$0x3FB7]  }
0x2e: {  	s3 =	simm.s32 @!p0 $0x1082;
	s9 =	sld [smem:$0x3FB8]  }
0x2f: {  	lr =	sadd.s32 s0, s3;
	s0 =	sld [smem:$0x3FAF]  }
0x30: {  	s3 =	sld [smem:$0x3FB2]  }
0x31: {  	[smem:$0x3FBB] =	sst s10  }
0x32: {  	s10 =	sld [smem:$0x3FB9];
	_ =	sdelay $0x3  }
0x33: {  	p0 =	seq.s32 s10, $0x1;
	s10 =	sld [smem:$0x3FBB];
	_ =	sdelay $0x3  }
0x34: {  	[smem:$0x3FBB] =	sst s10  }
0x35: {  	s10 =	sld [smem:$0x3FBA];
	_ =	sdelay $0x3  }
0x36: {  	p1 =	seq.s32 s10, $0x1;
	s10 =	sld [smem:$0x3FBB];
	_ =	sdelay $0x3  }
0x37: {  	[smem:$0x3FBB] =	sst s10  }
0x38: {  	s10 =	sld [smem:$0x3FBC]  }
0x39: {  	_ = 	snop;
	(pc) =	sbr.ind lr, $3  }
0x3a: {  	_ = 	snop  }
0x3b: {  	_ = 	snop  }
0x3c: {  	p2 =	seq.s32 s10, $0x1;
	s10 =	sld [smem:$0x3FBB]  }
0x3d: {  	_ =	shalt  }
0x3e: {  	_ =	shalt  }
0x3f: {  	_ =	shalt  }
0x40: {  	_ =	shalt  }
0x41: {  	_ =	shalt  }
0x42: {  	_ =	shalt  }
0x43: {  	_ =	shalt  }
0x44: {  	_ =	shalt  }
0x45: {  	_ =	shalt  }
0x46: {  	_ =	shalt  }
0x47: {  	_ =	shalt  }
0x48: {  	_ =	shalt  }
0x49: {  	_ =	shalt  }
0x4a: {  	_ =	shalt  }
0x4b: {  	_ =	shalt  }
0x4c: {  	_ =	shalt  }
0x4d: {  	_ =	shalt  }
0x4e: {  	_ =	shalt  }
0x4f: {  	_ =	shalt  }
0x50: {  	_ =	shalt  }
0x51: {  	_ =	shalt  }
0x52: {  	_ =	shalt  }
0x53: {  	_ =	shalt  }
0x54: {  	_ =	shalt  }
0x55: {  	_ =	shalt  }
0x56: {  	_ =	shalt  }
0x57: {  	_ =	shalt  }
0x58: {  	_ =	shalt  }
0x59: {  	_ =	shalt  }
0x5a: {  	_ =	shalt  }
0x5b: {  	_ =	shalt  }
0x5c: {  	_ =	shalt  }
0x5d: {  	_ =	shalt  }
0x5e: {  	_ =	shalt  }
0x5f: {  	_ =	shalt  }
0x60: {  	_ =	shalt  }
0x61: {  	_ =	shalt  }
0x62: {  	_ =	shalt  }
0x63: {  	_ =	shalt  }
0x64: {  	_ =	shalt  }
0x65: {  	_ =	shalt  }
0x66: {  	_ =	shalt  }
0x67: {  	_ =	shalt  }
0x68: {  	_ =	shalt  }
0x69: {  	_ =	shalt  }
0x6a: {  	_ =	shalt  }
0x6b: {  	_ =	shalt  }
0x6c: {  	_ =	shalt  }
0x6d: {  	_ =	shalt  }
0x6e: {  	_ =	shalt  }
0x6f: {  	_ =	shalt  }
0x70: {  	_ =	shalt  }
0x71: {  	_ =	shalt  }
0x72: {  	_ =	shalt  }
0x73: {  	_ =	shalt  }
0x74: {  	_ =	shalt  }
0x75: {  	_ =	shalt  }
0x76: {  	_ =	shalt  }
0x77: {  	_ =	shalt  }
0x78: {  	_ =	shalt  }
0x79: {  	_ =	shalt  }
0x7a: {  	_ =	shalt  }
0x7b: {  	_ =	shalt  }
0x7c: {  	_ =	shalt  }
0x7d: {  	_ =	shalt  }
0x7e: {  	_ =	shalt  }
0x7f: {  	_ =	shalt  }
0x80: {  	_ =	shalt  }
0x81: {  	_ =	shalt  }
0x82: {  	_ =	shalt  }
0x83: {  	_ =	shalt  }
0x84: {  	_ =	shalt  }
0x85: {  	_ =	shalt  }
0x86: {  	_ =	shalt  }
0x87: {  	_ =	shalt  }
.Lfunc_end0:
.L_simem_size_0:
called_computation_lowered:
.L_overlay_start_0:
0x88: {  	s0 =	sld [smem:$0x3FD9]  }
0x89: {  	s1 =	sld [smem:$0x3FFE];
	_ =	sdelay $0x3  }
0x8a: {  	s0 =	sadd.s32 s1, s0  }
0x8b: {  	[smem:$0x3FC7] =	sst s0  }
0x8c: {  	_ = 	snop  }
0x8d: {  	s23 =	sld [smem:$0x3FC9]  }
0x8e: {  	s0 =	sld [smem:$0x3FD0];
	(tm) =	ssettm $0x1  }
0x8f: {  	s2 =	sld [smem:$0x3FFB];
	_ =	sdelay $0x3  }
0x90: {  	_ =	strace s2  }
0x91: {  	s2 =	sld [smem:$0x3FFC];
	_ =	sdelay $0x3  }
0x92: {  	_ =	strace s2  }
0x93: {  	s2 =	sld [smem:$0x3FFD];
	_ =	sdelay $0x3  }
0x94: {  	_ =	strace s2  }
0x95: {  	s24 =	simm.s32 $0x1B8B;
	_ =	strace $0x8FFFFFFF  }
0x96: {  	_ =	swait.ge [sflag:s24], $0x1  }
0x97: {  	[sflag:s24] =	ssyncset.done $0x0  }
0x98: {  	s25 =	simm.s32 $0x1B8E;
	[sflag:s24] =	ssyncadd.s32 $0xFFFFFFFF  }
0x99: {  	[smem:$0x3FD2] =	sst s25  }
0x9a: {  	s26 =	simm.s32 $0x9;
	s3 =	simm.s32 $0x10;
	_ =	strace $0x80000046  }
0x9b: {  	[smem:s3], [sflag:s26] =	dma.local [hbm:s23], $0x10  }
0x9c: {  	_ =	swait.ge [sflag:s26], $0x10  }
0x9d: {  	[sflag:s26] =	ssyncset.done $0x0  }
0x9e: {  	[sflag:s26] =	ssyncadd.s32 $0xFFFFFFF0  }
0x9f: {  	s28 =	sld [smem:$0x10]  }
0xa0: {  	s29 =	sld [smem:$0x11]  }
0xa1: {  	s30 =	sld [smem:$0x12]  }
0xa2: {  	s5 =	sld [smem:$0x13]  }
0xa3: {  	s4 =	ssub.f32 $1.000000000e+00, s28  }
0xa4: {  	s6 =	ssub.f32 $1.000000000e+00, s29  }
0xa5: {  	s1 =	smul.f32 s4, s28;
	s7 =	ssub.f32 $1.000000000e+00, s30  }
0xa6: {  	s2 =	smul.f32 s6, s29;
	s31 =	ssub.f32 $1.000000000e+00, s5  }
0xa7: {  	s4 =	sld [smem:$0x14];
	s7 =	smul.f32 s7, s30  }
0xa8: {  	s3 =	sld [smem:$0x15];
	s5 =	smul.f32 s31, s5  }
0xa9: {  	s8 =	sadd.f32 s2, s1  }
0xaa: {  	s9 =	sadd.f32 s5, s7  }
0xab: {  	s6 =	sld [smem:$0x16];
	s1 =	srdreg.scid;
	s2 =	simm.f32 $0.0e+00  }
0xac: {  	s5 =	sld [smem:$0x17];
	s7 =	simm.s32 $0x20;
	s8 =	smul.f32 s9, s8  }
.LBB1_1:
0xad: {  	p0 =	sne.s32 s7, $0x1F0;
	s9 =	ssub.f32 $1.000000000e+00, s4  }
0xae: {  	s2 =	sadd.f32 s8, s2  }
0xaf: {  	s8 =	ssub.f32 $1.000000000e+00, s3  }
0xb0: {  	s9 =	smul.f32 s9, s4;
	s10 =	ssub.f32 $1.000000000e+00, s6  }
0xb1: {  	s11 =	sshra.s32 s7, $0x2;
	s8 =	smul.f32 s8, s3;
	s12 =	ssub.f32 $1.000000000e+00, s5  }
0xb2: {  	s6 =	smul.f32 s10, s6;
	s4 =	sld [smem:s11+$0x10]  }
0xb3: {  	s5 =	smul.f32 s12, s5;
	s3 =	sld [smem:s11+$0x11]  }
.Ltmp0:
0xb4: {  	s8 =	sadd.f32 s8, s9;
	(pc) =	sbr.rel @p0 .LBB1_1-.Ltmp0, $3  }
0xb5: {  	s9 =	sadd.f32 s5, s6  }
0xb6: {  	s6 =	sld [smem:s11+$0x12]  }
0xb7: {  	s7 =	sadd.s32 $0x10, s7;
	s8 =	smul.f32 s9, s8;
	s5 =	sld [smem:s11+$0x13]  }
0xb8: {  	s7 =	ssub.f32 $1.000000000e+00, s4  }
0xb9: {  	s9 =	ssub.f32 $1.000000000e+00, s3  }
0xba: {  	s4 =	smul.f32 s7, s4;
	s22 =	ssub.f32 $1.000000000e+00, s6  }
0xbb: {  	s3 =	smul.f32 s9, s3;
	s23 =	ssub.f32 $1.000000000e+00, s5  }
0xbc: {  	s6 =	smul.f32 s22, s6  }
0xbd: {  	s5 =	smul.f32 s23, s5  }
0xbe: {  	s3 =	sadd.f32 s3, s4  }
0xbf: {  	s24 =	sadd.f32 s5, s6;
	_ =	sdelay $0x1  }
0xc0: {  	s2 =	sadd.f32 s8, s2;
	s3 =	smul.f32 s24, s3  }
0xc1: {  	_ = 	snop  }
0xc2: {  	s2 =	sadd.f32 s3, s2;
	_ =	sdelay $0x1  }
0xc3: {  	s25 =	simm.s32 $0x90;
	s26 =	simm.s32 $0xA;
	[smem:$0x90] =	sst s2  }
0xc4: {  	[hbm:s0], [sflag:s26] =	dma.local [smem:s25], $0x10  }
0xc5: {  	_ =	swait.ge [sflag:s26], $0x10  }
0xc6: {  	[sflag:s26] =	ssyncset.done $0x0  }
0xc7: {  	[sflag:s26] =	ssyncadd.s32 $0xFFFFFFF0  }
0xc8: {  	_ =	strace $0x90000046  }
0xc9: {  	_ =	sfence  }
0xca: {  	s28 =	sld [smem:$0x0];
	_ =	sdelay $0x2  }
0xcb: {  	s29 =	sshll.u32 s1, $0xD;
	s30 =	sshrl.u32 s1, $0x2  }
0xcc: {  	s31 =	sand.u32 $0x1, s1;
	s2 =	sand.u32 $0x4000, s29;
	s0 =	sadd.s32 s30, s28  }
0xcd: {  	s1 =	sor.u32 s2, s31;
	s0 =	sshll.u32 s0, $0x11  }
0xce: {  	s0 =	sor.u32 s0, s1  }
0xcf: {  	s0 =	sadd.s32 $0x8F2B, s0;
	(pc) =	sbr.abs _section_cstart, $3  }
0xd0: {  	[sflag:s0] =	ssyncadd.remote.s32 $0x1  }
0xd1: {  	_ =	strace $0x9FFFFFFF  }
0xd2: {  	(tm) =	ssettm $0x7FFFFFFF  }
0xd3: {  	_ =	shalt  }

</sc_bundles>
